<compile_context>
chip_gen: v7x
topology: tpu7x:2x2x1
jax: 0.10.2.dev20260603
libtpu: 0.0.44.dev20260713+nightly
codegen_flags: <defaults>
</compile_context>

<pallas_src>
import functools

import jax
import jax.numpy as jnp
from jax import lax
from jax.experimental import pallas as pl
from jax.experimental.pallas import tpu as pltpu
from jax.experimental.pallas import tpu_sc as plsc

_D = 4096
_B = 16384
_NC = 2
_NS = 16
_NW = _NC * _NS
_ROWS_PER_W = _B // _NW
_REP = 1
_NCOPY = _ROWS_PER_W // _REP


def _sc_body(idx_hbm, table_hbm, out_hbm, idx_v, buf_v, gsem, ssem):
    wid = lax.axis_index("s") * _NC + lax.axis_index("c")
    base = wid * _ROWS_PER_W
    pltpu.sync_copy(idx_hbm, idx_v)
    pltpu.async_copy(table_hbm.at[idx_v], buf_v, gsem).wait()

    def _fire(j, carry):
        row = out_hbm.at[pl.ds(base + j * _REP, _REP)]
        pltpu.async_copy(
            buf_v.at[:, :, pl.ds(0, _D // 2)], row.at[:, :, pl.ds(0, _D // 2)], ssem
        )
        pltpu.async_copy(
            buf_v.at[:, :, pl.ds(_D // 2, _D // 2)],
            row.at[:, :, pl.ds(_D // 2, _D // 2)],
            ssem,
        )
        return carry

    lax.fori_loop(0, _NCOPY, _fire, 0)
    pltpu.make_async_copy(
        out_hbm.at[pl.ds(base, _ROWS_PER_W)],
        out_hbm.at[pl.ds(base, _ROWS_PER_W)],
        ssem,
    ).wait()


def kernel(prefix_emb, variant_idx, batch_size):
    idx = jnp.asarray(variant_idx, jnp.int32) + (
        jnp.asarray(batch_size, jnp.int32) - _B
    )
    idx_arr = jnp.full((_REP,), idx, dtype=jnp.int32)
    table = prefix_emb.reshape(2, 1, _D)
    kfn = functools.partial(
        pl.kernel,
        out_type=jax.ShapeDtypeStruct((_B, 1, _D), jnp.float32),
        mesh=plsc.VectorSubcoreMesh(core_axis_name="c", subcore_axis_name="s"),
        scratch_types=[
            pltpu.VMEM((_REP,), jnp.int32),
            pltpu.VMEM((_REP, 1, _D), jnp.float32),
            pltpu.SemaphoreType.DMA,
            pltpu.SemaphoreType.DMA,
        ],
    )(_sc_body)
    return kfn(idx_arr, table)

# --- scband reference (transcript-rebuilt; emitter-appended) ---
"""Pipeline reference for scband-identity-anchor-32418413150473 (READ-ONLY COPY).

The authoritative reference and input builder live on the scoring server;
editing this copy changes nothing except your own understanding.
"""

import jax, jax.numpy as jnp
import numpy as np

D_MODEL = 4096
BATCH_SIZE = 16384
VARIANT_IDX = 1


def setup_inputs(seed: int = 0) -> dict:
    key = jax.random.key(seed)
    prefix_emb = jax.random.normal(key, (2, D_MODEL), dtype=jnp.float32)
    return {
        "prefix_emb": prefix_emb,
        "variant_idx": VARIANT_IDX,
        "batch_size": BATCH_SIZE,
    }


def reference(prefix_emb, variant_idx, batch_size):
    # torch: idx = torch.full((batch_size, 1), variant_idx, dtype=torch.long)
    #        return self.prefix_emb(idx)  -> [batch_size, 1, d_model]
    idx = jnp.full((BATCH_SIZE, 1), variant_idx, dtype=jnp.int32)
    idx = idx + (jnp.asarray(batch_size, dtype=jnp.int32) - BATCH_SIZE)
    out = jnp.take(prefix_emb, idx, axis=0)
    return out

if __name__ == "__main__":
    import jax
    _d = setup_inputs()
    print(jax.jit(kernel)(*tuple(_d.values())))

</pallas_src>

<mosaic_0001>
#map = affine_map<(d0, d1) -> (0)>
#map1 = affine_map<(d0, d1) -> (0, 0, 0)>
module attributes {stable_mosaic.version = 14 : i64} {
  func.func @_sc_body(%arg0: i32, %arg1: i32, %arg2: memref<1xi32, #tpu.memory_space<hbm>>, %arg3: memref<2x1x4096xf32, #tpu.memory_space<hbm>>, %arg4: memref<16384x1x4096xf32, #tpu.memory_space<hbm>>, %arg5: memref<1xi32, #tpu.memory_space<vmem>>, %arg6: memref<1x1x4096xf32, #tpu.memory_space<vmem>>, %arg7: memref<!tpu.dma_semaphore, #tpu.memory_space<semaphore_mem>>, %arg8: memref<!tpu.dma_semaphore, #tpu.memory_space<semaphore_mem>>) attributes {dimension_semantics = [#tpu.dimension_semantics<core_parallel>, #tpu.dimension_semantics<subcore_parallel>], iteration_bounds = array<i64: 2, 16>, scalar_prefetch = 0 : i64, scratch_operands = 4 : i64, tpu.core_type = #tpu.core_type<sc_vector_subcore>, window_params = [{transform_indices = #map}, {transform_indices = #map1}, {transform_indices = #map1}]} {
    %mul3A = arith.constant 2 : i32
    %mul3A_0 = arith.muli %arg1, %mul3A : i32
    %add3A = arith.addi %mul3A_0, %arg0 : i32
    %mul3A_1 = arith.constant 512 : i32
    %mul3A_2 = arith.muli %add3A, %mul3A_1 : i32
    "tpu.region"() ({
      %run_scoped3A = tpu.sem_alloc : memref<!tpu.dma_semaphore, #tpu.memory_space<semaphore_mem>>
      tpu.enqueue_dma source(%arg2 : memref<1xi32, #tpu.memory_space<hbm>>) target(%arg5 : memref<1xi32, #tpu.memory_space<vmem>>) target_semaphore(%run_scoped3A : memref<!tpu.dma_semaphore, #tpu.memory_space<semaphore_mem>>)
      tpu.wait_dma2 semaphore(%run_scoped3A : memref<!tpu.dma_semaphore, #tpu.memory_space<semaphore_mem>>) src(%arg2 : memref<1xi32, #tpu.memory_space<hbm>>) dst(%arg5 : memref<1xi32, #tpu.memory_space<vmem>>)
      tpu.yield
    }) : () -> ()
    %dma_start3A = arith.constant 0 : i32
    %dma_start3A_3 = arith.constant 0 : i32
    %dma_start3A_4 = arith.constant 0 : i32
    %dma_start3A_5 = tpu.memref_slice %arg3[%dma_start3A, %dma_start3A_3, %dma_start3A_4] : memref<2x1x4096xf32, #tpu.memory_space<hbm>> -> memref<2x1x4096xf32, #tpu.memory_space<hbm>>
    tpu.enqueue_indirect_dma source(%dma_start3A_5 : memref<2x1x4096xf32, #tpu.memory_space<hbm>>) target(%arg6 : memref<1x1x4096xf32, #tpu.memory_space<vmem>>) offsets(%arg5 : memref<1xi32, #tpu.memory_space<vmem>>) semaphore(%arg7 : memref<!tpu.dma_semaphore, #tpu.memory_space<semaphore_mem>>)
    %dma_wait3A = arith.constant 0 : i32
    %dma_wait3A_6 = arith.constant 0 : i32
    %dma_wait3A_7 = arith.constant 0 : i32
    %dma_wait3A_8 = tpu.memref_slice %arg3[%dma_wait3A, %dma_wait3A_6, %dma_wait3A_7] : memref<2x1x4096xf32, #tpu.memory_space<hbm>> -> memref<2x1x4096xf32, #tpu.memory_space<hbm>>
    tpu.wait_indirect_dma semaphore(%arg7 : memref<!tpu.dma_semaphore, #tpu.memory_space<semaphore_mem>>) src(%dma_wait3A_8 : memref<2x1x4096xf32, #tpu.memory_space<hbm>>) dst(%arg6 : memref<1x1x4096xf32, #tpu.memory_space<vmem>>)
    %scan3A = arith.constant 0 : i32
    %scan3A_9 = arith.constant 0 : i32
    %scan3A_10 = arith.constant 512 : i32
    %scan3A_11 = arith.addi %scan3A_9, %scan3A_10 : i32
    %scan3A_12 = arith.constant 1 : i32
    scf.for %scan3A_20 = %scan3A_9 to %scan3A_11 step %scan3A_12  : i32 {
      %mul3A_21 = arith.constant 1 : i32
      %mul3A_22 = arith.muli %scan3A_20, %mul3A_21 : i32
      %add3A_23 = arith.addi %mul3A_2, %mul3A_22 : i32
      %dma_start3A_24 = arith.constant 0 : i32
      %dma_start3A_25 = arith.constant 0 : i32
      %dma_start3A_26 = arith.constant 0 : i32
      %dma_start3A_27 = tpu.memref_slice %arg6[%dma_start3A_24, %dma_start3A_25, %dma_start3A_26] : memref<1x1x4096xf32, #tpu.memory_space<vmem>> -> memref<1x1x2048xf32, #tpu.memory_space<vmem>>
      %dma_start3A_28 = arith.constant 0 : i32
      %dma_start3A_29 = arith.constant 0 : i32
      %dma_start3A_30 = tpu.memref_slice %arg4[%add3A_23, %dma_start3A_28, %dma_start3A_29] : memref<16384x1x4096xf32, #tpu.memory_space<hbm>> -> memref<1x1x4096xf32, #tpu.memory_space<hbm>>
      %dma_start3A_31 = arith.constant 0 : i32
      %dma_start3A_32 = arith.constant 0 : i32
      %dma_start3A_33 = arith.constant 0 : i32
      %dma_start3A_34 = tpu.memref_slice %dma_start3A_30[%dma_start3A_31, %dma_start3A_32, %dma_start3A_33] : memref<1x1x4096xf32, #tpu.memory_space<hbm>> -> memref<1x1x2048xf32, #tpu.memory_space<hbm>>
      %dma_start3A_35 = arith.constant 0 : i32
      %dma_start3A_36 = arith.constant 0 : i32
      %dma_start3A_37 = tpu.memref_slice %arg4[%add3A_23, %dma_start3A_35, %dma_start3A_36] : memref<16384x1x4096xf32, #tpu.memory_space<hbm>> -> memref<1x1x4096xf32, #tpu.memory_space<hbm>>
      %dma_start3A_38 = arith.constant 0 : i32
      %dma_start3A_39 = arith.constant 0 : i32
      %dma_start3A_40 = arith.constant 0 : i32
      %dma_start3A_41 = tpu.memref_slice %dma_start3A_37[%dma_start3A_38, %dma_start3A_39, %dma_start3A_40] : memref<1x1x4096xf32, #tpu.memory_space<hbm>> -> memref<1x1x2048xf32, #tpu.memory_space<hbm>>
      %dma_start3A_42 = arith.constant 0 : i32
      %dma_start3A_43 = arith.constant 0 : i32
      %dma_start3A_44 = arith.constant 0 : i32
      %dma_start3A_45 = tpu.memref_slice %arg6[%dma_start3A_42, %dma_start3A_43, %dma_start3A_44] : memref<1x1x4096xf32, #tpu.memory_space<vmem>> -> memref<1x1x2048xf32, #tpu.memory_space<vmem>>
      tpu.enqueue_dma source(%dma_start3A_45 : memref<1x1x2048xf32, #tpu.memory_space<vmem>>) target(%dma_start3A_41 : memref<1x1x2048xf32, #tpu.memory_space<hbm>>) target_semaphore(%arg8 : memref<!tpu.dma_semaphore, #tpu.memory_space<semaphore_mem>>)
      %dma_start3A_46 = arith.constant 0 : i32
      %dma_start3A_47 = arith.constant 0 : i32
      %dma_start3A_48 = arith.constant 2048 : i32
      %dma_start3A_49 = tpu.memref_slice %arg6[%dma_start3A_46, %dma_start3A_47, %dma_start3A_48] : memref<1x1x4096xf32, #tpu.memory_space<vmem>> -> memref<1x1x2048xf32, #tpu.memory_space<vmem>>
      %dma_start3A_50 = arith.constant 0 : i32
      %dma_start3A_51 = arith.constant 0 : i32
      %dma_start3A_52 = tpu.memref_slice %arg4[%add3A_23, %dma_start3A_50, %dma_start3A_51] : memref<16384x1x4096xf32, #tpu.memory_space<hbm>> -> memref<1x1x4096xf32, #tpu.memory_space<hbm>>
      %dma_start3A_53 = arith.constant 0 : i32
      %dma_start3A_54 = arith.constant 0 : i32
      %dma_start3A_55 = arith.constant 2048 : i32
      %dma_start3A_56 = tpu.memref_slice %dma_start3A_52[%dma_start3A_53, %dma_start3A_54, %dma_start3A_55] : memref<1x1x4096xf32, #tpu.memory_space<hbm>> -> memref<1x1x2048xf32, #tpu.memory_space<hbm>>
      %dma_start3A_57 = arith.constant 0 : i32
      %dma_start3A_58 = arith.constant 0 : i32
      %dma_start3A_59 = tpu.memref_slice %arg4[%add3A_23, %dma_start3A_57, %dma_start3A_58] : memref<16384x1x4096xf32, #tpu.memory_space<hbm>> -> memref<1x1x4096xf32, #tpu.memory_space<hbm>>
      %dma_start3A_60 = arith.constant 0 : i32
      %dma_start3A_61 = arith.constant 0 : i32
      %dma_start3A_62 = arith.constant 2048 : i32
      %dma_start3A_63 = tpu.memref_slice %dma_start3A_59[%dma_start3A_60, %dma_start3A_61, %dma_start3A_62] : memref<1x1x4096xf32, #tpu.memory_space<hbm>> -> memref<1x1x2048xf32, #tpu.memory_space<hbm>>
      %dma_start3A_64 = arith.constant 0 : i32
      %dma_start3A_65 = arith.constant 0 : i32
      %dma_start3A_66 = arith.constant 2048 : i32
      %dma_start3A_67 = tpu.memref_slice %arg6[%dma_start3A_64, %dma_start3A_65, %dma_start3A_66] : memref<1x1x4096xf32, #tpu.memory_space<vmem>> -> memref<1x1x2048xf32, #tpu.memory_space<vmem>>
      tpu.enqueue_dma source(%dma_start3A_67 : memref<1x1x2048xf32, #tpu.memory_space<vmem>>) target(%dma_start3A_63 : memref<1x1x2048xf32, #tpu.memory_space<hbm>>) target_semaphore(%arg8 : memref<!tpu.dma_semaphore, #tpu.memory_space<semaphore_mem>>)
    }
    %scan3A_13 = arith.constant 512 : i32
    %dma_wait3A_14 = arith.constant 0 : i32
    %dma_wait3A_15 = arith.constant 0 : i32
    %dma_wait3A_16 = tpu.memref_slice %arg4[%mul3A_2, %dma_wait3A_14, %dma_wait3A_15] : memref<16384x1x4096xf32, #tpu.memory_space<hbm>> -> memref<512x1x4096xf32, #tpu.memory_space<hbm>>
    %dma_wait3A_17 = arith.constant 0 : i32
    %dma_wait3A_18 = arith.constant 0 : i32
    %dma_wait3A_19 = tpu.memref_slice %arg4[%mul3A_2, %dma_wait3A_17, %dma_wait3A_18] : memref<16384x1x4096xf32, #tpu.memory_space<hbm>> -> memref<512x1x4096xf32, #tpu.memory_space<hbm>>
    tpu.wait_dma2 semaphore(%arg8 : memref<!tpu.dma_semaphore, #tpu.memory_space<semaphore_mem>>) src(%dma_wait3A_19 : memref<512x1x4096xf32, #tpu.memory_space<hbm>>) dst(%dma_wait3A_16 : memref<512x1x4096xf32, #tpu.memory_space<hbm>>)
    return
  }
}

</mosaic_0001>

<sc_bundles>
// kernel: kernel.3.cloned.1.call-start
scs
__scs_entry_jumppad:
0x0: {  	(pc) =	sbr.rel $0x88, $3  }
0x1: {  	(tag) =	ssettag $0x0;
	lr =	simm.s32 $0x1  }
0x2: {  	[smem:$0x3F9E] =	sst lr;
	_ =	strace $0xD0000000  }
0x3: {  	_ = 	snop  }
0x4: {  	_ = 	snop  }
0x5: {  	_ = 	snop  }
0x6: {  	_ = 	snop  }
0x7: {  	_ = 	snop  }
__scs_overlays_trampoline_lowered:
0x8: {  	[smem:$0x3FAD] =	sst s0  }
0x9: {  	[smem:$0x3FAE] =	sst s1  }
0xa: {  	[smem:$0x3FAF] =	sst s2  }
0xb: {  	[smem:$0x3FB0] =	sst s3  }
0xc: {  	[smem:$0x3FB1] =	sst s4  }
0xd: {  	[smem:$0x3FB2] =	sst s5  }
0xe: {  	[smem:$0x3FB3] =	sst s6  }
0xf: {  	[smem:$0x3FB4] =	sst s7  }
0x10: {  	[smem:$0x3FB5] =	sst s8  }
0x11: {  	[smem:$0x3FB6] =	sst s9;
	s0 =	simm.s32 @!p0 $0x0  }
0x12: {  	s1 =	sld [smem:$0x3F9C];
	s0 =	simm.s32 @p0 $0x1  }
0x13: {  	[smem:$0x3FB7] =	sst s0;
	s0 =	simm.s32 @!p1 $0x0  }
0x14: {  	s2 =	sld [smem:$0x3F9B];
	s0 =	simm.s32 @p1 $0x1  }
0x15: {  	[smem:$0x3FB8] =	sst s0;
	s0 =	simm.s32 @!p2 $0x0  }
0x16: {  	s3 =	sld [smem:$0x3FDB];
	s0 =	simm.s32 @p2 $0x1  }
0x17: {  	s4 =	simm.s32 $0x1BF5;
	[smem:$0x3FBA] =	sst s0  }
0x18: {  	s0 =	sld [smem:$0x3F9D];
	_ =	swait.ge [sflag:s4], $0x0  }
0x19: {  	s7 =	sld [smem:$0x3F9E]  }
0x1a: {  	s8 =	sadd.s32 $0xFFFFE003, lr  }
0x1b: {  	s9 =	sadd.s32 $0xFFFFFEF7, lr;
	s5 =	simm.s32 $0xFFFFFFFF;
	p2 =	slt.u32 s8, $0xFFFFF086  }
0x1c: {  	p1 =	slt.u32 s9, $0xF7A;
	s5 =	simm.s32 @!p2 $0x0  }
0x1d: {  	s5 =	simm.s32 @p1 $0x1;
	p0 =	seq.s32 s7, s2  }
0x1e: {  	s7 =	smul.u32 @!p0 $0xF7A, s2;
	p2 =	seq.s32 @!p0 s5, $0x0  }
0x1f: {  	s9 =	smul.u32 $0xF7A, s1;
	s8 =	simm.s32 @!p0 $0x1BF5;
	p2 =	por !p2, p0  }
0x20: {  	[sflag:s8] =	ssyncset.s32 @!p0 $0xFFFFF086;
	s6 =	sadd.s32 @!p0 s3, s7;
	s7 =	simm.s32 @!p0 $0x108  }
0x21: {  	s3 =	sadd.s32 s3, s9;
	s6 =	sadd.s32 @!p0 $0x88, s6;
	s7 =	simm.s32 @p2 $0x1082  }
0x22: {  	[simem:s7], [sflag:s8] =	dma.local @!p0 [hbm:s6], $0xF7A  }
0x23: {  	s9 =	sor.u32 $0xD0000000, s2;
	s6 =	simm.s32 $0x108;
	_ =	swait.ge @!p0 [sflag:s8], $0x0  }
0x24: {  	s3 =	sadd.s32 $0x88, s3;
	s6 =	simm.s32 @!p1 $0x1082;
	[sflag:s4] =	ssyncset.s32 $0xFFFFF086  }
0x25: {  	[simem:s6], [sflag:s4] =	dma.local [hbm:s3], $0xF7A  }
0x26: {  	[smem:$0x3F9E] =	sst s1;
	(tag) =	ssettag s2;
	_ =	strace s9  }
0x27: {  	s1 =	sld [smem:$0x3FAE]  }
0x28: {  	s2 =	sld [smem:$0x3FAF]  }
0x29: {  	s4 =	sld [smem:$0x3FB1]  }
0x2a: {  	p0 =	seq.s32 s5, $0x0;
	s5 =	sld [smem:$0x3FB2]  }
0x2b: {  	s6 =	sld [smem:$0x3FB3]  }
0x2c: {  	s7 =	sld [smem:$0x3FB4]  }
0x2d: {  	s3 =	simm.s32 $0x108;
	s8 =	sld [smem:$0x3FB5]  }
0x2e: {  	s3 =	simm.s32 @!p0 $0x1082;
	s9 =	sld [smem:$0x3FB6]  }
0x2f: {  	lr =	sadd.s32 s0, s3;
	s0 =	sld [smem:$0x3FAD]  }
0x30: {  	s3 =	sld [smem:$0x3FB0]  }
0x31: {  	[smem:$0x3FB9] =	sst s10  }
0x32: {  	s10 =	sld [smem:$0x3FB7];
	_ =	sdelay $0x3  }
0x33: {  	p0 =	seq.s32 s10, $0x1;
	s10 =	sld [smem:$0x3FB9];
	_ =	sdelay $0x3  }
0x34: {  	[smem:$0x3FB9] =	sst s10  }
0x35: {  	s10 =	sld [smem:$0x3FB8];
	_ =	sdelay $0x3  }
0x36: {  	p1 =	seq.s32 s10, $0x1;
	s10 =	sld [smem:$0x3FB9];
	_ =	sdelay $0x3  }
0x37: {  	[smem:$0x3FB9] =	sst s10  }
0x38: {  	s10 =	sld [smem:$0x3FBA]  }
0x39: {  	_ = 	snop;
	(pc) =	sbr.ind lr, $3  }
0x3a: {  	_ = 	snop  }
0x3b: {  	_ = 	snop  }
0x3c: {  	p2 =	seq.s32 s10, $0x1;
	s10 =	sld [smem:$0x3FB9]  }
0x3d: {  	_ =	shalt  }
0x3e: {  	_ =	shalt  }
0x3f: {  	_ =	shalt  }
0x40: {  	_ =	shalt  }
0x41: {  	_ =	shalt  }
0x42: {  	_ =	shalt  }
0x43: {  	_ =	shalt  }
0x44: {  	_ =	shalt  }
0x45: {  	_ =	shalt  }
0x46: {  	_ =	shalt  }
0x47: {  	_ =	shalt  }
0x48: {  	_ =	shalt  }
0x49: {  	_ =	shalt  }
0x4a: {  	_ =	shalt  }
0x4b: {  	_ =	shalt  }
0x4c: {  	_ =	shalt  }
0x4d: {  	_ =	shalt  }
0x4e: {  	_ =	shalt  }
0x4f: {  	_ =	shalt  }
0x50: {  	_ =	shalt  }
0x51: {  	_ =	shalt  }
0x52: {  	_ =	shalt  }
0x53: {  	_ =	shalt  }
0x54: {  	_ =	shalt  }
0x55: {  	_ =	shalt  }
0x56: {  	_ =	shalt  }
0x57: {  	_ =	shalt  }
0x58: {  	_ =	shalt  }
0x59: {  	_ =	shalt  }
0x5a: {  	_ =	shalt  }
0x5b: {  	_ =	shalt  }
0x5c: {  	_ =	shalt  }
0x5d: {  	_ =	shalt  }
0x5e: {  	_ =	shalt  }
0x5f: {  	_ =	shalt  }
0x60: {  	_ =	shalt  }
0x61: {  	_ =	shalt  }
0x62: {  	_ =	shalt  }
0x63: {  	_ =	shalt  }
0x64: {  	_ =	shalt  }
0x65: {  	_ =	shalt  }
0x66: {  	_ =	shalt  }
0x67: {  	_ =	shalt  }
0x68: {  	_ =	shalt  }
0x69: {  	_ =	shalt  }
0x6a: {  	_ =	shalt  }
0x6b: {  	_ =	shalt  }
0x6c: {  	_ =	shalt  }
0x6d: {  	_ =	shalt  }
0x6e: {  	_ =	shalt  }
0x6f: {  	_ =	shalt  }
0x70: {  	_ =	shalt  }
0x71: {  	_ =	shalt  }
0x72: {  	_ =	shalt  }
0x73: {  	_ =	shalt  }
0x74: {  	_ =	shalt  }
0x75: {  	_ =	shalt  }
0x76: {  	_ =	shalt  }
0x77: {  	_ =	shalt  }
0x78: {  	_ =	shalt  }
0x79: {  	_ =	shalt  }
0x7a: {  	_ =	shalt  }
0x7b: {  	_ =	shalt  }
0x7c: {  	_ =	shalt  }
0x7d: {  	_ =	shalt  }
0x7e: {  	_ =	shalt  }
0x7f: {  	_ =	shalt  }
0x80: {  	_ =	shalt  }
0x81: {  	_ =	shalt  }
0x82: {  	_ =	shalt  }
0x83: {  	_ =	shalt  }
0x84: {  	_ =	shalt  }
0x85: {  	_ =	shalt  }
0x86: {  	_ =	shalt  }
0x87: {  	_ =	shalt  }
.Lfunc_end0:
.L_simem_size_0:
called_computation_lowered:
.L_overlay_start_0:
0x88: {  	s2 =	sld [smem:$0x3FD9]  }
0x89: {  	s3 =	sld [smem:$0x3FFE];
	_ =	sdelay $0x1  }
0x8a: {  	s1 =	srdreg.scid  }
0x8b: {  	s0 =	sand.u32 $0x1, s1  }
0x8c: {  	s17 =	sshll.u32 s0, $0xA;
	s2 =	sadd.s32 s3, s2  }
0x8d: {  	s2 =	sadd.s32 s2, s17  }
0x8e: {  	[smem:$0x3FC5] =	sst s2  }
0x8f: {  	_ = 	snop  }
0x90: {  	s2 =	sld [smem:$0x3FD0];
	(tm) =	ssettm $0x1  }
0x91: {  	s18 =	sld [smem:$0x3FFB];
	_ =	sdelay $0x3  }
0x92: {  	_ =	strace s18  }
0x93: {  	s3 =	sld [smem:$0x3FFC];
	_ =	sdelay $0x3  }
0x94: {  	_ =	strace s3  }
0x95: {  	s3 =	sld [smem:$0x3FFD];
	_ =	sdelay $0x3  }
0x96: {  	_ =	strace s3  }
0x97: {  	_ =	strace $0x8FFFFFFF  }
0x98: {  	s19 =	sld [smem:$0x3FDB];
	_ =	sdelay $0x1  }
0x99: {  	s4 =	simm.s32 $_scs_section_size  }
0x9a: {  	s5 =	simm.s32 $_size__tile_overlayer_lowered;
	s6 =	simm.s32 $_tile_overlayer_lowered  }
0x9b: {  	s22 =	simm.s32 $0x1BFF;
	s21 =	sshll.u32 s6, $0x1;
	s3 =	sadd.s32 s4, s19  }
0x9c: {  	s7 =	simm.s32 $0x0;
	s20 =	sshll.u32 s5, $0x1;
	s5 =	sadd.s32 s21, s3  }
0x9d: {  	[timem:s7], [sflag:s22] =	dma.local [hbm:s5], s20  }
0x9e: {  	_ =	swait.ge [sflag:s22], s20  }
0x9f: {  	s4 =	ssub.s32 $0x0, s20;
	[sflag:s22] =	ssyncset.done $0x0  }
0xa0: {  	[sflag:s22] =	ssyncadd.s32 s4;
	_ =	sdelay $0x1  }
0xa1: {  	s23 =	simm.s32 $0x1B8B  }
0xa2: {  	_ =	swait.ge [sflag:s23], $0x1  }
0xa3: {  	[sflag:s23] =	ssyncset.done $0x0  }
0xa4: {  	s25 =	simm.s32 $0x1B8E;
	s24 =	sld [smem:$0x3FFE];
	[sflag:s23] =	ssyncadd.s32 $0xFFFFFFFF  }
0xa5: {  	s26 =	simm.s32 $execute0_lowered;
	[smem:$0x3FD2] =	sst s25  }
0xa6: {  	s5 =	sshll.u32 s26, $0x1;
	_ =	strace $0x80000046;
	[dreg:$0x1] =	wrdreg $0xFFFFFFFF  }
0xa7: {  	s28 =	simm.s32 $_size_execute0_lowered;
	s3 =	sadd.s32 s3, s5;
	[dreg:$0x0] =	wrdreg $0x0  }
0xa8: {  	s5 =	sshll.u32 s28, $0x1;
	[dreg:$0x2] =	wrdreg s3  }
0xa9: {  	[dreg:$0x3] =	wrdreg s5  }
0xaa: {  	[dreg:$0x4] =	wrdreg $0xC0  }
0xab: {  	_ =	task [dreg:s7], $0x5FFFF  }
0xac: {  	[dreg:$0x1] =	wrdreg $0xFFFFFFFF  }
0xad: {  	[dreg:$0x0] =	wrdreg $0x60  }
0xae: {  	[dreg:$0x2] =	wrdreg s24  }
0xaf: {  	[dreg:$0x3] =	wrdreg s2  }
0xb0: {  	[dreg:$0x4] =	wrdreg $0x9  }
0xb1: {  	_ =	task.clear_ibuf [dreg:s7], $0x5FFFF;
	_ =	strace $0x90000046  }
0xb2: {  	s29 =	simm.s32 $0x9;
	_ =	strace $0x80000048  }
0xb3: {  	_ =	swait.ge [sflag:s29], $0x1  }
0xb4: {  	[sflag:s29] =	ssyncadd.s32 $0xFFFFFFFF  }
0xb5: {  	_ =	strace $0x90000048  }
0xb6: {  	_ =	sfence  }
0xb7: {  	s30 =	sld [smem:$0x0];
	_ =	sdelay $0x2  }
0xb8: {  	s31 =	sshll.u32 s1, $0xD;
	s1 =	sshrl.u32 s1, $0x2  }
0xb9: {  	s3 =	sand.u32 $0x4000, s31;
	s1 =	sadd.s32 s1, s30  }
0xba: {  	s0 =	sor.u32 s3, s0;
	s1 =	sshll.u32 s1, $0x11  }
0xbb: {  	s0 =	sor.u32 s1, s0  }
0xbc: {  	s0 =	sadd.s32 $0x8F2B, s0  }
0xbd: {  	[sflag:s0] =	ssyncadd.remote.s32 $0x1  }
0xbe: {  	_ =	sfence.sel $0xFFFF  }
0xbf: {  	[dreg:$0x0] =	wrdreg $0xFFFFFFFF;
	(pc) =	sbr.abs _section_cstart, $3  }
0xc0: {  	[dreg:$0x1] =	wrdreg $0xFFFFFFFF  }
0xc1: {  	_ =	task.clear_ibuf [dreg:s7], $0x2FFFF;
	_ =	strace $0x9FFFFFFF  }
0xc2: {  	(tm) =	ssettm $0x7FFFFFFF  }
0xc3: {  	_ =	shalt  }
tec
execute0_lowered:
.L_overlay_start_1:
0x0: {  	(tag) =	ssettag $0x1  }
0x1: {  	s4 =	rddreg [dreg:$0x0]  }
0x2: {  	s5 =	rddreg [dreg:$0x1]  }
0x3: {  	s0 =	rddreg [dreg:$0x2];
	s1 =	simm.s32 $0x0  }
0x4: {  	s2 =	srdreg.scid;
	s10 =	simm.s32 $0x880;
	s11 =	simm.s32 $0x2  }
0x5: {  	s12 =	simm.s32 $0x0;
	[smem:$0x7FF] =	sst s1;
	s6 =	sand.u32 $0x1, s2  }
0x6: {  	s2 =	stileid.u32;
	s3 =	sadd.s32 $0x800, s4;
	s4 =	sadd.s32 $0x400, s4  }
0x7: {  	_ =	strace $0x80000047;
	s7 =	ssub.s32 $0x2, s6;
	s9 =	sshll.u32 s2, $0x13  }
0x8: {  	s6 =	sshll.u32 s6, $0x12;
	s8 =	sshrl.u32 s7, $0x1;
	s31 =	sadd.s32 s9, s5  }
0x9: {  	s9 =	simm.s32 $0x80;
	s7 =	ssub.s32 s7, s8;
	s6 =	sadd.s32 s6, s31  }
0xa: {  	s8 =	simm.s32 $0x1;
	s5 =	smax.u32 s7, $0x1;
	s7 =	simm.s32 $0x3  }
.LBB2_1:
0xb: {  	[tilespmem:s1], [sflag:$0x3] =	stream.linear.gather [hbm4b:s3+s1], $0x80, $0x38;
	[tilespmem:$0x1080] =	vst v63  }
0xc: {  	_ =	swait.ge [sflag:s7], $0x80  }
0xd: {  	[sflag:s7] =	ssyncset.done $0x0  }
0xe: {  	[sflag:s7] =	ssyncadd.s32 $0xFFFFFF80  }
0xf: {  	[tilespmem:s9], [sflag:$0x1] =	stream.indirect.gather [hbm4b:s4+s8], $0x1000, s1, s8, $0xb8;
	[tilespmem:$0x1080] =	vst v63  }
0x10: {  	_ =	swait.ge [sflag:s8], $0x1000  }
0x11: {  	[sflag:s8] =	ssyncset.done $0x0  }
0x12: {  	s14 =	sadd.s32 $0x0, s6;
	[sflag:s8] =	ssyncadd.s32 $0xFFFFF000  }
0x13: {  	[hbm4b:s14+s1] =	stream.linear.scatter [tilespmem:s9], [sflag:$0x2], $0x800, $0x38;
	[tilespmem:$0x1080] =	vst v63  }
0x14: {  	s13 =	simm.s32 $0x200;
	s14 =	sadd.s32 $0x100, s14  }
.LBB2_2:
0x15: {  	[hbm4b:s14+s1] =	stream.linear.scatter [tilespmem:s10], [sflag:$0x2], $0x800, $0x38;
	[tilespmem:$0x1080] =	vst v63  }
0x16: {  	s14 =	smov.u32 s13;
	p0 =	sne.s32 s13, $0x3FE00  }
.Ltmp0:
0x17: {  	s13 =	sadd.s32 $0x200, s13;
	(pc) =	sbr.rel @p0 .LBB2_2-.Ltmp0, $4  }
0x18: {  	_ = 	snop  }
0x19: {  	s14 =	sadd.s32 s14, s6  }
0x1a: {  	[hbm4b:s14+s1] =	stream.linear.scatter [tilespmem:s9], [sflag:$0x2], $0x800, $0x38;
	[tilespmem:$0x1080] =	vst v63  }
0x1b: {  	s14 =	sadd.s32 $0x100, s14  }
0x1c: {  	s12 =	sadd.s32 $0x1, s12  }
0x1d: {  	p0 =	sne.s32 s12, s5  }
.Ltmp1:
0x1e: {  	_ = 	snop;
	(pc) =	sbr.rel @p0 .LBB2_1-.Ltmp1, $4  }
0x1f: {  	[hbm4b:s14+s1] =	stream.linear.scatter [tilespmem:s10], [sflag:$0x2], $0x800, $0x38;
	[tilespmem:$0x1080] =	vst v63  }
0x20: {  	_ =	swait.ge [sflag:s11], $0x40000  }
0x21: {  	[sflag:s11] =	ssyncset.done $0x0  }
0x22: {  	[sflag:s11] =	ssyncadd.s32 $0xFFFC0000  }
0x23: {  	_ =	sfence.sel $0x180000  }
0x24: {  	[bflag:$0x0] =	sbarrier.arrive $0xFFFF  }
0x25: {  	p0 =	sne.s32 s2, $0x0;
	_ =	strace $0x90000047  }
0x26: {  	s0 =	sadd.s32 @!p0 $0x100000, s0;
	[bflag:$0x2] =	sbarrier.arrive $0xFFFF  }
0x27: {  	[sflag:s0] =	ssyncadd.tile.s32 @!p0 $0x1;
	_ =	shalt  }
.Lfunc_end2:
_tile_overlayer_lowered:
.L_overlay_start_2:
0x28: {  	(tag) =	ssettag $0x2  }
0x29: {  	s0 =	rddreg [dreg:$0x0];
	s2 =	stileid.u32  }
0x2a: {  	s1 =	rddreg [dreg:$0x1];
	p0 =	sne.s32 s2, $0x0  }
0x2b: {  	s3 =	rddreg [dreg:$0x2];
	[bflag:$0x3] =	sbarrier.arrive $0xFFFF;
	s2 =	simm.s32 @!p0 $0x1C03  }
0x2c: {  	[timem:s3], [sflag:s2] =	dma.local @!p0 [hbm:s0], s1  }
0x2d: {  	s0 =	simm.s32 @!p0 $0x3  }
0x2e: {  	_ =	swait.ge @!p0 [sflag:s0], s1  }
0x2f: {  	s1 =	ssub.s32 @!p0 $0x0, s1;
	[sflag:s0] =	ssyncset.done @!p0 $0x0  }
0x30: {  	[sflag:s0] =	ssyncadd.s32 @!p0 s1  }
0x31: {  	[bflag:$0x3] =	sbarrier.arrive $0xFFFF  }
0x32: {  	_ =	shalt  }

</sc_bundles>
